<compile_context>
chip_gen: v7x
topology: tpu7x:2x2x1
jax: 0.10.2.dev20260603
libtpu: 0.0.44.dev20260713+nightly
codegen_flags: <defaults>
</compile_context>

<pallas_src>
import math

import jax
import jax.numpy as jnp
import numpy as np
from jax import lax
from jax.experimental import pallas as pl
from jax.experimental.pallas import tpu as pltpu
from jax.experimental.pallas import tpu_sc as plsc

_GMM = 512
_BATCH = 128
_EMB = 1024
_ROWS_PER_WORKER = 8
_NUM_WORKERS = _BATCH // _ROWS_PER_WORKER


def _sample_body(sent_ref, w_ref, noise_ref, pk_ref, idx_ref):
    scores = lax.dot_general(
        sent_ref[...],
        w_ref[...],
        dimension_numbers=(((1,), (1,)), ((), ())),
        preferred_element_type=jnp.float32,
    ) * (1.0 / math.sqrt(_EMB))
    m = jnp.max(scores, axis=1, keepdims=True)
    e = jnp.exp(scores - m)
    denom = jnp.sum(e, axis=1, keepdims=True)
    pk = e / denom
    pk_ref[...] = pk
    v = scores + noise_ref[...]
    vm = jnp.max(v, axis=1, keepdims=True)
    col = lax.broadcasted_iota(jnp.int32, (_BATCH, _GMM), 1)
    row = lax.broadcasted_iota(jnp.int32, (_BATCH, _GMM), 0)
    hit = jnp.where(v == vm, col + row * _GMM, jnp.int32(2**30))
    idx_ref[...] = jnp.min(hit, axis=1)


def _gather_body(table_ref, idx_ref, out_ref, idx_v, rows_v, sem):
    s = lax.axis_index("s")
    base = pl.multiple_of(s * _ROWS_PER_WORKER, _ROWS_PER_WORKER)
    pltpu.sync_copy(idx_ref.at[pl.ds(base, _ROWS_PER_WORKER)], idx_v)
    pltpu.async_copy(table_ref.at[idx_v], rows_v, sem).wait()
    pltpu.sync_copy(rows_v, out_ref.at[pl.ds(base, _ROWS_PER_WORKER)])


def _make_sc_gather():
    return pl.kernel(
        _gather_body,
        out_type=jax.ShapeDtypeStruct((_BATCH, _EMB), jnp.float32),
        mesh=plsc.VectorSubcoreMesh(
            core_axis_name="c", subcore_axis_name="s", num_cores=1
        ),
        scratch_types=[
            pltpu.VMEM((_ROWS_PER_WORKER,), jnp.int32),
            pltpu.VMEM((_ROWS_PER_WORKER, _EMB), jnp.float32),
            pltpu.SemaphoreType.DMA,
        ],
    )


_NOISE_CACHE = []


def _noise_const():
    if not _NOISE_CACHE:
        cpu = jax.local_devices(backend="cpu")[0]
        with jax.ensure_compile_time_eval(), jax.default_device(cpu):
            sample = jax.random.gumbel(
                jax.random.key(42), (_BATCH, _GMM), jnp.float32
            )
        _NOISE_CACHE.append(np.asarray(sample))
    return _NOISE_CACHE[0]


def kernel(x, sent, W):
    noise = _noise_const()
    pk, idx_flat = pl.pallas_call(
        _sample_body,
        out_shape=(
            jax.ShapeDtypeStruct((_BATCH, _GMM), jnp.float32),
            jax.ShapeDtypeStruct((_BATCH,), jnp.int32),
        ),
    )(sent, W, noise)
    table = x.reshape((_GMM * _BATCH, _EMB))
    out = _make_sc_gather()(table, idx_flat)
    return (out, pk)

# --- scband reference (transcript-rebuilt; emitter-appended) ---
"""Pipeline reference for scband-gmm-embedding-38680475467831 (READ-ONLY COPY).

The authoritative reference and input builder live on the scoring server;
editing this copy changes nothing except your own understanding.
"""

import jax, jax.numpy as jnp
import numpy as np
import math

GMM_NUM = 512
EMB_DIM = 1024
BATCH = 128


def setup_inputs(seed: int = 0) -> dict:
    key = jax.random.key(seed)
    k1, k2, k3 = jax.random.split(key, 3)
    x = jax.random.normal(k1, (GMM_NUM, BATCH, EMB_DIM), dtype=jnp.float32)
    sent = jax.random.normal(k2, (BATCH, EMB_DIM), dtype=jnp.float32)
    # learned parameter: nn.Embedding(gmm_num, emb_dim) weight table
    W = jax.random.normal(k3, (GMM_NUM, EMB_DIM), dtype=jnp.float32) * 0.02
    return {"x": x, "sent": sent, "W": W}


def reference(x, sent, W):
    gmm_num = x.shape[0]
    batch = x.shape[1]
    d_k = W.shape[1]
    # get_gmm_prob: matmul(emb[1,G,E], sent[B,E,1]) / sqrt(d_k) -> squeeze -> softmax over gmm axis
    scores = jnp.matmul(sent, W.T) / math.sqrt(d_k)  # [B, G]
    pk_gmm = jax.nn.softmax(scores, axis=1)  # [B, G]
    # torch.multinomial(pk_gmm, 1).squeeze() -> categorical sample per row
    skey = jax.random.key(42)
    gmmn = jax.random.categorical(skey, jnp.log(pk_gmm), axis=1)  # [B] in [0, G)
    # gmmn += arange(0, G*B, G)
    gmmn = gmmn + jnp.arange(0, gmm_num * batch, gmm_num)
    # x.view(G*B, ...).index_select(0, gmmn).squeeze()
    x_flat = x.reshape((gmm_num * batch,) + x.shape[2:])
    out = jnp.take(x_flat, gmmn, axis=0)  # [B, EMB_DIM]; squeeze is a no-op here
    return (out, pk_gmm)

if __name__ == "__main__":
    import jax
    _d = setup_inputs()
    print(jax.jit(kernel)(*tuple(_d.values())))

</pallas_src>

<mosaic_0001>
#map = affine_map<(d0, d1) -> (0, 0)>
#map1 = affine_map<(d0, d1) -> (0)>
module attributes {stable_mosaic.version = 14 : i64} {
  func.func @_gather_body(%arg0: i32, %arg1: i32, %arg2: memref<65536x1024xf32, #tpu.memory_space<hbm>>, %arg3: memref<128xi32, #tpu.memory_space<hbm>>, %arg4: memref<128x1024xf32, #tpu.memory_space<hbm>>, %arg5: memref<8xi32, #tpu.memory_space<vmem>>, %arg6: memref<8x1024xf32, #tpu.memory_space<vmem>>, %arg7: memref<!tpu.dma_semaphore, #tpu.memory_space<semaphore_mem>>) attributes {dimension_semantics = [#tpu.dimension_semantics<core_parallel>, #tpu.dimension_semantics<subcore_parallel>], iteration_bounds = array<i64: 1, 16>, scalar_prefetch = 0 : i64, scratch_operands = 3 : i64, tpu.core_type = #tpu.core_type<sc_vector_subcore>, window_params = [{transform_indices = #map}, {transform_indices = #map1}, {transform_indices = #map}]} {
    %mul3A = arith.constant 8 : i32
    %mul3A_0 = arith.muli %arg1, %mul3A : i32
    %multiple_of3A = tpu.assume_multiple %mul3A_0, 8 : i32
    "tpu.region"() ({
      %run_scoped3A = tpu.sem_alloc : memref<!tpu.dma_semaphore, #tpu.memory_space<semaphore_mem>>
      %dma_start3A_5 = tpu.memref_slice %arg3[%multiple_of3A] : memref<128xi32, #tpu.memory_space<hbm>> -> memref<8xi32, #tpu.memory_space<hbm>>
      %dma_start3A_6 = tpu.memref_slice %arg3[%multiple_of3A] : memref<128xi32, #tpu.memory_space<hbm>> -> memref<8xi32, #tpu.memory_space<hbm>>
      tpu.enqueue_dma source(%dma_start3A_6 : memref<8xi32, #tpu.memory_space<hbm>>) target(%arg5 : memref<8xi32, #tpu.memory_space<vmem>>) target_semaphore(%run_scoped3A : memref<!tpu.dma_semaphore, #tpu.memory_space<semaphore_mem>>)
      %dma_wait3A_7 = tpu.memref_slice %arg3[%multiple_of3A] : memref<128xi32, #tpu.memory_space<hbm>> -> memref<8xi32, #tpu.memory_space<hbm>>
      %dma_wait3A_8 = tpu.memref_slice %arg3[%multiple_of3A] : memref<128xi32, #tpu.memory_space<hbm>> -> memref<8xi32, #tpu.memory_space<hbm>>
      tpu.wait_dma2 semaphore(%run_scoped3A : memref<!tpu.dma_semaphore, #tpu.memory_space<semaphore_mem>>) src(%dma_wait3A_8 : memref<8xi32, #tpu.memory_space<hbm>>) dst(%arg5 : memref<8xi32, #tpu.memory_space<vmem>>)
      tpu.yield
    }) : () -> ()
    %dma_start3A = arith.constant 0 : i32
    %dma_start3A_1 = arith.constant 0 : i32
    %dma_start3A_2 = tpu.memref_slice %arg2[%dma_start3A, %dma_start3A_1] : memref<65536x1024xf32, #tpu.memory_space<hbm>> -> memref<65536x1024xf32, #tpu.memory_space<hbm>>
    tpu.enqueue_indirect_dma source(%dma_start3A_2 : memref<65536x1024xf32, #tpu.memory_space<hbm>>) target(%arg6 : memref<8x1024xf32, #tpu.memory_space<vmem>>) offsets(%arg5 : memref<8xi32, #tpu.memory_space<vmem>>) semaphore(%arg7 : memref<!tpu.dma_semaphore, #tpu.memory_space<semaphore_mem>>)
    %dma_wait3A = arith.constant 0 : i32
    %dma_wait3A_3 = arith.constant 0 : i32
    %dma_wait3A_4 = tpu.memref_slice %arg2[%dma_wait3A, %dma_wait3A_3] : memref<65536x1024xf32, #tpu.memory_space<hbm>> -> memref<65536x1024xf32, #tpu.memory_space<hbm>>
    tpu.wait_indirect_dma semaphore(%arg7 : memref<!tpu.dma_semaphore, #tpu.memory_space<semaphore_mem>>) src(%dma_wait3A_4 : memref<65536x1024xf32, #tpu.memory_space<hbm>>) dst(%arg6 : memref<8x1024xf32, #tpu.memory_space<vmem>>)
    "tpu.region"() ({
      %run_scoped3A = tpu.sem_alloc : memref<!tpu.dma_semaphore, #tpu.memory_space<semaphore_mem>>
      %dma_start3A_5 = arith.constant 0 : i32
      %dma_start3A_6 = tpu.memref_slice %arg4[%multiple_of3A, %dma_start3A_5] : memref<128x1024xf32, #tpu.memory_space<hbm>> -> memref<8x1024xf32, #tpu.memory_space<hbm>>
      %dma_start3A_7 = arith.constant 0 : i32
      %dma_start3A_8 = tpu.memref_slice %arg4[%multiple_of3A, %dma_start3A_7] : memref<128x1024xf32, #tpu.memory_space<hbm>> -> memref<8x1024xf32, #tpu.memory_space<hbm>>
      tpu.enqueue_dma source(%arg6 : memref<8x1024xf32, #tpu.memory_space<vmem>>) target(%dma_start3A_8 : memref<8x1024xf32, #tpu.memory_space<hbm>>) target_semaphore(%run_scoped3A : memref<!tpu.dma_semaphore, #tpu.memory_space<semaphore_mem>>)
      %dma_wait3A_9 = arith.constant 0 : i32
      %dma_wait3A_10 = tpu.memref_slice %arg4[%multiple_of3A, %dma_wait3A_9] : memref<128x1024xf32, #tpu.memory_space<hbm>> -> memref<8x1024xf32, #tpu.memory_space<hbm>>
      %dma_wait3A_11 = arith.constant 0 : i32
      %dma_wait3A_12 = tpu.memref_slice %arg4[%multiple_of3A, %dma_wait3A_11] : memref<128x1024xf32, #tpu.memory_space<hbm>> -> memref<8x1024xf32, #tpu.memory_space<hbm>>
      tpu.wait_dma2 semaphore(%run_scoped3A : memref<!tpu.dma_semaphore, #tpu.memory_space<semaphore_mem>>) src(%arg6 : memref<8x1024xf32, #tpu.memory_space<vmem>>) dst(%dma_wait3A_12 : memref<8x1024xf32, #tpu.memory_space<hbm>>)
      tpu.yield
    }) : () -> ()
    return
  }
}

module attributes {stable_mosaic.version = 14 : i64} {
  func.func @_sample_body(%arg0: memref<128x1024xf32, #tpu.memory_space<vmem>>, %arg1: memref<512x1024xf32, #tpu.memory_space<vmem>>, %arg2: memref<128x512xf32, #tpu.memory_space<vmem>>, %arg3: memref<128x512xf32, #tpu.memory_space<vmem>>, %arg4: memref<128xi32, #tpu.memory_space<vmem>>) attributes {dimension_semantics = [], scalar_prefetch = 0 : i64, scratch_operands = 0 : i64, tpu.core_type = #tpu.core_type<tc>} {
    %get3A = arith.constant 0 : index
    %get3A_0 = arith.constant 0 : index
    %get3A_1 = vector.load %arg0[%get3A, %get3A_0] : memref<128x1024xf32, #tpu.memory_space<vmem>>, vector<128x1024xf32>
    %get3A_2 = arith.constant 0 : index
    %get3A_3 = arith.constant 0 : index
    %get3A_4 = vector.load %arg1[%get3A_2, %get3A_3] : memref<512x1024xf32, #tpu.memory_space<vmem>>, vector<512x1024xf32>
    %dot_general3A = arith.constant dense<0.000000e+00> : vector<128x512xf32>
    %dot_general3A_5 = tpu.matmul %get3A_1, %get3A_4, %dot_general3A {dimension_numbers = #tpu.dot_dimension_numbers<[1], [1], [0], [0], [0, 0, 1, 0], [], []>, transpose_lhs_hint = false} : vector<128x1024xf32>, vector<512x1024xf32>, vector<128x512xf32> -> vector<128x512xf32>
    %mul3A = arith.constant 3.125000e-02 : f32
    %mul3A_6 = vector.broadcast %mul3A : f32 to vector<128x512xf32>
    %mul3A_7 = arith.mulf %dot_general3A_5, %mul3A_6 : vector<128x512xf32>
    %reduce_max3A = arith.constant dense<0xFF800000> : vector<128xf32>
    %reduce_max3A_8 = vector.multi_reduction <maximumf>, %mul3A_7, %reduce_max3A [1] : vector<128x512xf32> to vector<128xf32>
    %broadcast_in_dim3A = vector.shape_cast %reduce_max3A_8 : vector<128xf32> to vector<128x1xf32>
    %sub3A = vector.broadcast %broadcast_in_dim3A : vector<128x1xf32> to vector<128x512xf32>
    %sub3A_9 = arith.subf %mul3A_7, %sub3A : vector<128x512xf32>
    %exp3A = math.exp %sub3A_9 : vector<128x512xf32>
    %reduce_sum3A = arith.constant dense<0.000000e+00> : vector<128xf32>
    %reduce_sum3A_10 = vector.multi_reduction <add>, %exp3A, %reduce_sum3A [1] : vector<128x512xf32> to vector<128xf32>
    %broadcast_in_dim3A_11 = vector.shape_cast %reduce_sum3A_10 : vector<128xf32> to vector<128x1xf32>
    %div3A = vector.broadcast %broadcast_in_dim3A_11 : vector<128x1xf32> to vector<128x512xf32>
    %div3A_12 = arith.divf %exp3A, %div3A : vector<128x512xf32>
    %swap3A = arith.constant 0 : index
    %swap3A_13 = arith.constant 0 : index
    %swap3A_14 = vector.load %arg3[%swap3A, %swap3A_13] : memref<128x512xf32, #tpu.memory_space<vmem>>, vector<128x512xf32>
    tpu.vector_store %arg3[%swap3A, %swap3A_13], %div3A_12 {strides = array<i32>} : memref<128x512xf32, #tpu.memory_space<vmem>>, vector<128x512xf32>,
    %get3A_15 = arith.constant 0 : index
    %get3A_16 = arith.constant 0 : index
    %get3A_17 = vector.load %arg2[%get3A_15, %get3A_16] : memref<128x512xf32, #tpu.memory_space<vmem>>, vector<128x512xf32>
    %add3A = arith.addf %mul3A_7, %get3A_17 : vector<128x512xf32>
    %reduce_max3A_18 = arith.constant dense<0xFF800000> : vector<128xf32>
    %reduce_max3A_19 = vector.multi_reduction <maximumf>, %add3A, %reduce_max3A_18 [1] : vector<128x512xf32> to vector<128xf32>
    %broadcast_in_dim3A_20 = vector.shape_cast %reduce_max3A_19 : vector<128xf32> to vector<128x1xf32>
    %iota3A = tpu.iota {dimensions = array<i32: 1>} : vector<128x512xi32>
    %iota3A_21 = tpu.iota {dimensions = array<i32: 0>} : vector<128x512xi32>
    %eq3A = vector.broadcast %broadcast_in_dim3A_20 : vector<128x1xf32> to vector<128x512xf32>
    %eq3A_22 = arith.cmpf oeq, %add3A, %eq3A : vector<128x512xf32>
    %mul3A_23 = arith.constant 512 : i32
    %mul3A_24 = vector.broadcast %mul3A_23 : i32 to vector<128x512xi32>
    %mul3A_25 = arith.muli %iota3A_21, %mul3A_24 : vector<128x512xi32>
    %add3A_26 = arith.addi %iota3A, %mul3A_25 : vector<128x512xi32>
    %jit3A = arith.constant 1073741824 : i32
    %broadcast_in_dim3A_27 = vector.broadcast %jit3A : i32 to vector<128x512xi32>
    %select_n3A = arith.select %eq3A_22, %add3A_26, %broadcast_in_dim3A_27 : vector<128x512xi1>, vector<128x512xi32>
    %reduce_min3A = arith.constant dense<2147483647> : vector<128xi32>
    %reduce_min3A_28 = vector.multi_reduction <minsi>, %select_n3A, %reduce_min3A [1] : vector<128x512xi32> to vector<128xi32>
    %swap3A_29 = arith.constant 0 : index
    %swap3A_30 = vector.load %arg4[%swap3A_29] : memref<128xi32, #tpu.memory_space<vmem>>, vector<128xi32>
    tpu.vector_store %arg4[%swap3A_29], %reduce_min3A_28 {strides = array<i32>} : memref<128xi32, #tpu.memory_space<vmem>>, vector<128xi32>,
    return
  }
}

</mosaic_0001>

<sc_bundles>
// kernel: kernel.4.cloned.1.call-start
scs
__scs_entry_jumppad:
0x0: {  	(pc) =	sbr.rel $0x88, $3  }
0x1: {  	(tag) =	ssettag $0x0;
	lr =	simm.s32 $0x1  }
0x2: {  	[smem:$0x3F9E] =	sst lr;
	_ =	strace $0xD0000000  }
0x3: {  	_ = 	snop  }
0x4: {  	_ = 	snop  }
0x5: {  	_ = 	snop  }
0x6: {  	_ = 	snop  }
0x7: {  	_ = 	snop  }
__scs_overlays_trampoline_lowered:
0x8: {  	[smem:$0x3FAD] =	sst s0  }
0x9: {  	[smem:$0x3FAE] =	sst s1  }
0xa: {  	[smem:$0x3FAF] =	sst s2  }
0xb: {  	[smem:$0x3FB0] =	sst s3  }
0xc: {  	[smem:$0x3FB1] =	sst s4  }
0xd: {  	[smem:$0x3FB2] =	sst s5  }
0xe: {  	[smem:$0x3FB3] =	sst s6  }
0xf: {  	[smem:$0x3FB4] =	sst s7  }
0x10: {  	[smem:$0x3FB5] =	sst s8  }
0x11: {  	[smem:$0x3FB6] =	sst s9;
	s0 =	simm.s32 @!p0 $0x0  }
0x12: {  	s1 =	sld [smem:$0x3F9C];
	s0 =	simm.s32 @p0 $0x1  }
0x13: {  	[smem:$0x3FB7] =	sst s0;
	s0 =	simm.s32 @!p1 $0x0  }
0x14: {  	s2 =	sld [smem:$0x3F9B];
	s0 =	simm.s32 @p1 $0x1  }
0x15: {  	[smem:$0x3FB8] =	sst s0;
	s0 =	simm.s32 @!p2 $0x0  }
0x16: {  	s3 =	sld [smem:$0x3FDB];
	s0 =	simm.s32 @p2 $0x1  }
0x17: {  	s4 =	simm.s32 $0x1BF5;
	[smem:$0x3FBA] =	sst s0  }
0x18: {  	s0 =	sld [smem:$0x3F9D];
	_ =	swait.ge [sflag:s4], $0x0  }
0x19: {  	s7 =	sld [smem:$0x3F9E]  }
0x1a: {  	s8 =	sadd.s32 $0xFFFFE003, lr  }
0x1b: {  	s9 =	sadd.s32 $0xFFFFFEF7, lr;
	s5 =	simm.s32 $0xFFFFFFFF;
	p2 =	slt.u32 s8, $0xFFFFF086  }
0x1c: {  	p1 =	slt.u32 s9, $0xF7A;
	s5 =	simm.s32 @!p2 $0x0  }
0x1d: {  	s5 =	simm.s32 @p1 $0x1;
	p0 =	seq.s32 s7, s2  }
0x1e: {  	s7 =	smul.u32 @!p0 $0xF7A, s2;
	p2 =	seq.s32 @!p0 s5, $0x0  }
0x1f: {  	s9 =	smul.u32 $0xF7A, s1;
	s8 =	simm.s32 @!p0 $0x1BF5;
	p2 =	por !p2, p0  }
0x20: {  	[sflag:s8] =	ssyncset.s32 @!p0 $0xFFFFF086;
	s6 =	sadd.s32 @!p0 s3, s7;
	s7 =	simm.s32 @!p0 $0x108  }
0x21: {  	s3 =	sadd.s32 s3, s9;
	s6 =	sadd.s32 @!p0 $0x88, s6;
	s7 =	simm.s32 @p2 $0x1082  }
0x22: {  	[simem:s7], [sflag:s8] =	dma.local @!p0 [hbm:s6], $0xF7A  }
0x23: {  	s9 =	sor.u32 $0xD0000000, s2;
	s6 =	simm.s32 $0x108;
	_ =	swait.ge @!p0 [sflag:s8], $0x0  }
0x24: {  	s3 =	sadd.s32 $0x88, s3;
	s6 =	simm.s32 @!p1 $0x1082;
	[sflag:s4] =	ssyncset.s32 $0xFFFFF086  }
0x25: {  	[simem:s6], [sflag:s4] =	dma.local [hbm:s3], $0xF7A  }
0x26: {  	[smem:$0x3F9E] =	sst s1;
	(tag) =	ssettag s2;
	_ =	strace s9  }
0x27: {  	s1 =	sld [smem:$0x3FAE]  }
0x28: {  	s2 =	sld [smem:$0x3FAF]  }
0x29: {  	s4 =	sld [smem:$0x3FB1]  }
0x2a: {  	p0 =	seq.s32 s5, $0x0;
	s5 =	sld [smem:$0x3FB2]  }
0x2b: {  	s6 =	sld [smem:$0x3FB3]  }
0x2c: {  	s7 =	sld [smem:$0x3FB4]  }
0x2d: {  	s3 =	simm.s32 $0x108;
	s8 =	sld [smem:$0x3FB5]  }
0x2e: {  	s3 =	simm.s32 @!p0 $0x1082;
	s9 =	sld [smem:$0x3FB6]  }
0x2f: {  	lr =	sadd.s32 s0, s3;
	s0 =	sld [smem:$0x3FAD]  }
0x30: {  	s3 =	sld [smem:$0x3FB0]  }
0x31: {  	[smem:$0x3FB9] =	sst s10  }
0x32: {  	s10 =	sld [smem:$0x3FB7];
	_ =	sdelay $0x3  }
0x33: {  	p0 =	seq.s32 s10, $0x1;
	s10 =	sld [smem:$0x3FB9];
	_ =	sdelay $0x3  }
0x34: {  	[smem:$0x3FB9] =	sst s10  }
0x35: {  	s10 =	sld [smem:$0x3FB8];
	_ =	sdelay $0x3  }
0x36: {  	p1 =	seq.s32 s10, $0x1;
	s10 =	sld [smem:$0x3FB9];
	_ =	sdelay $0x3  }
0x37: {  	[smem:$0x3FB9] =	sst s10  }
0x38: {  	s10 =	sld [smem:$0x3FBA]  }
0x39: {  	_ = 	snop;
	(pc) =	sbr.ind lr, $3  }
0x3a: {  	_ = 	snop  }
0x3b: {  	_ = 	snop  }
0x3c: {  	p2 =	seq.s32 s10, $0x1;
	s10 =	sld [smem:$0x3FB9]  }
0x3d: {  	_ =	shalt  }
0x3e: {  	_ =	shalt  }
0x3f: {  	_ =	shalt  }
0x40: {  	_ =	shalt  }
0x41: {  	_ =	shalt  }
0x42: {  	_ =	shalt  }
0x43: {  	_ =	shalt  }
0x44: {  	_ =	shalt  }
0x45: {  	_ =	shalt  }
0x46: {  	_ =	shalt  }
0x47: {  	_ =	shalt  }
0x48: {  	_ =	shalt  }
0x49: {  	_ =	shalt  }
0x4a: {  	_ =	shalt  }
0x4b: {  	_ =	shalt  }
0x4c: {  	_ =	shalt  }
0x4d: {  	_ =	shalt  }
0x4e: {  	_ =	shalt  }
0x4f: {  	_ =	shalt  }
0x50: {  	_ =	shalt  }
0x51: {  	_ =	shalt  }
0x52: {  	_ =	shalt  }
0x53: {  	_ =	shalt  }
0x54: {  	_ =	shalt  }
0x55: {  	_ =	shalt  }
0x56: {  	_ =	shalt  }
0x57: {  	_ =	shalt  }
0x58: {  	_ =	shalt  }
0x59: {  	_ =	shalt  }
0x5a: {  	_ =	shalt  }
0x5b: {  	_ =	shalt  }
0x5c: {  	_ =	shalt  }
0x5d: {  	_ =	shalt  }
0x5e: {  	_ =	shalt  }
0x5f: {  	_ =	shalt  }
0x60: {  	_ =	shalt  }
0x61: {  	_ =	shalt  }
0x62: {  	_ =	shalt  }
0x63: {  	_ =	shalt  }
0x64: {  	_ =	shalt  }
0x65: {  	_ =	shalt  }
0x66: {  	_ =	shalt  }
0x67: {  	_ =	shalt  }
0x68: {  	_ =	shalt  }
0x69: {  	_ =	shalt  }
0x6a: {  	_ =	shalt  }
0x6b: {  	_ =	shalt  }
0x6c: {  	_ =	shalt  }
0x6d: {  	_ =	shalt  }
0x6e: {  	_ =	shalt  }
0x6f: {  	_ =	shalt  }
0x70: {  	_ =	shalt  }
0x71: {  	_ =	shalt  }
0x72: {  	_ =	shalt  }
0x73: {  	_ =	shalt  }
0x74: {  	_ =	shalt  }
0x75: {  	_ =	shalt  }
0x76: {  	_ =	shalt  }
0x77: {  	_ =	shalt  }
0x78: {  	_ =	shalt  }
0x79: {  	_ =	shalt  }
0x7a: {  	_ =	shalt  }
0x7b: {  	_ =	shalt  }
0x7c: {  	_ =	shalt  }
0x7d: {  	_ =	shalt  }
0x7e: {  	_ =	shalt  }
0x7f: {  	_ =	shalt  }
0x80: {  	_ =	shalt  }
0x81: {  	_ =	shalt  }
0x82: {  	_ =	shalt  }
0x83: {  	_ =	shalt  }
0x84: {  	_ =	shalt  }
0x85: {  	_ =	shalt  }
0x86: {  	_ =	shalt  }
0x87: {  	_ =	shalt  }
.Lfunc_end0:
.L_simem_size_0:
called_computation_lowered:
.L_overlay_start_0:
0x88: {  	s0 =	sld [smem:$0x3FD9]  }
0x89: {  	s1 =	sld [smem:$0x3FFE];
	_ =	sdelay $0x3  }
0x8a: {  	s0 =	sadd.s32 s1, s0  }
0x8b: {  	[smem:$0x3FC5] =	sst s0  }
0x8c: {  	_ = 	snop  }
0x8d: {  	s0 =	sld [smem:$0x3FD0];
	_ =	sdelay $0x2  }
0x8e: {  	s2 =	simm.s32 $0xA;
	s3 =	simm.s32 $0x10;
	s13 =	sld [smem:$0x3FC9]  }
0x8f: {  	[smem:s3], [sflag:s2] =	dma.local [hbm:s0], $0x1  }
0x90: {  	_ =	swait.eq [sflag:s2], $0x1  }
0x91: {  	[sflag:s2] =	ssyncset.done $0x0  }
0x92: {  	[sflag:s2] =	ssyncadd.s32 $0xFFFFFFFF  }
0x93: {  	s14 =	sld [smem:$0x10];
	(tm) =	ssettm $0x1  }
0x94: {  	s15 =	sld [smem:$0x3FFB];
	_ =	sdelay $0x3  }
0x95: {  	_ =	strace s15  }
0x96: {  	s2 =	sld [smem:$0x3FFC];
	_ =	sdelay $0x3  }
0x97: {  	_ =	strace s2  }
0x98: {  	s2 =	sld [smem:$0x3FFD];
	_ =	sdelay $0x3  }
0x99: {  	_ =	strace s2  }
0x9a: {  	_ =	strace $0x8FFFFFFF  }
0x9b: {  	s16 =	sld [smem:$0x3FDB];
	_ =	sdelay $0x1  }
0x9c: {  	s17 =	simm.s32 $_scs_section_size  }
0x9d: {  	s4 =	simm.s32 $_size__tile_overlayer_lowered;
	s5 =	simm.s32 $_tile_overlayer_lowered  }
0x9e: {  	s20 =	simm.s32 $0x1BFF;
	s19 =	sshll.u32 s5, $0x1;
	s2 =	sadd.s32 s17, s16  }
0x9f: {  	s6 =	simm.s32 $0x0;
	s18 =	sshll.u32 s4, $0x1;
	s4 =	sadd.s32 s19, s2  }
0xa0: {  	[timem:s6], [sflag:s20] =	dma.local [hbm:s4], s18  }
0xa1: {  	_ =	swait.ge [sflag:s20], s18  }
0xa2: {  	s3 =	ssub.s32 $0x0, s18;
	[sflag:s20] =	ssyncset.done $0x0  }
0xa3: {  	[sflag:s20] =	ssyncadd.s32 s3;
	_ =	sdelay $0x1  }
0xa4: {  	s21 =	simm.s32 $0x1B8B  }
0xa5: {  	_ =	swait.ge [sflag:s21], $0x1  }
0xa6: {  	[sflag:s21] =	ssyncset.done $0x0  }
0xa7: {  	s23 =	simm.s32 $0x1B8E;
	s22 =	sld [smem:$0x3FFE];
	[sflag:s21] =	ssyncadd.s32 $0xFFFFFFFF  }
0xa8: {  	s24 =	simm.s32 $execute0_lowered;
	[smem:$0x3FD2] =	sst s23  }
0xa9: {  	s4 =	sshll.u32 s24, $0x1;
	_ =	strace $0x80000046;
	[dreg:$0x1] =	wrdreg $0xFFFFFFFF  }
0xaa: {  	s25 =	simm.s32 $_size_execute0_lowered;
	s2 =	sadd.s32 s2, s4;
	[dreg:$0x0] =	wrdreg $0x0  }
0xab: {  	s4 =	sshll.u32 s25, $0x1;
	[dreg:$0x2] =	wrdreg s2  }
0xac: {  	[dreg:$0x3] =	wrdreg s4  }
0xad: {  	[dreg:$0x4] =	wrdreg $0xC0  }
0xae: {  	_ =	task [dreg:s6], $0x5FFFF  }
0xaf: {  	[dreg:$0x1] =	wrdreg $0xFFFFFFFF  }
0xb0: {  	[dreg:$0x0] =	wrdreg $0x60  }
0xb1: {  	[dreg:$0x2] =	wrdreg s13  }
0xb2: {  	[dreg:$0x3] =	wrdreg s22  }
0xb3: {  	[dreg:$0x4] =	wrdreg s14  }
0xb4: {  	[dreg:$0x5] =	wrdreg $0x9  }
0xb5: {  	_ =	task.clear_ibuf [dreg:s6], $0x6FFFF;
	_ =	strace $0x90000046  }
0xb6: {  	s26 =	simm.s32 $0x9;
	_ =	strace $0x80000048  }
0xb7: {  	_ =	swait.ge [sflag:s26], $0x1  }
0xb8: {  	[sflag:s26] =	ssyncadd.s32 $0xFFFFFFFF  }
0xb9: {  	_ =	strace $0x90000048  }
0xba: {  	_ =	sfence  }
0xbb: {  	s28 =	sld [smem:$0x0];
	_ =	sdelay $0x1  }
0xbc: {  	s29 =	srdreg.scid  }
0xbd: {  	s30 =	sshll.u32 s29, $0xD;
	s31 =	sshrl.u32 s29, $0x2  }
0xbe: {  	s1 =	sand.u32 $0x1, s29;
	s2 =	sand.u32 $0x4000, s30;
	s0 =	sadd.s32 s31, s28  }
0xbf: {  	s1 =	sor.u32 s2, s1;
	s0 =	sshll.u32 s0, $0x11  }
0xc0: {  	s0 =	sor.u32 s0, s1  }
0xc1: {  	s0 =	sadd.s32 $0x8F2B, s0  }
0xc2: {  	[sflag:s0] =	ssyncadd.remote.s32 $0x1  }
0xc3: {  	_ =	sfence.sel $0xFFFF  }
0xc4: {  	[dreg:$0x0] =	wrdreg $0xFFFFFFFF;
	(pc) =	sbr.abs _section_cstart, $3  }
0xc5: {  	[dreg:$0x1] =	wrdreg $0xFFFFFFFF  }
0xc6: {  	_ =	task.clear_ibuf [dreg:s6], $0x2FFFF;
	_ =	strace $0x9FFFFFFF  }
0xc7: {  	(tm) =	ssettm $0x7FFFFFFF  }
tec
execute0_lowered:
.L_overlay_start_1:
0x0: {  	(tag) =	ssettag $0x1  }
0x1: {  	s0 =	rddreg [dreg:$0x0]  }
0x2: {  	s1 =	rddreg [dreg:$0x1]  }
0x3: {  	s2 =	rddreg [dreg:$0x2]  }
0x4: {  	s3 =	rddreg [dreg:$0x3];
	s4 =	simm.s32 $0x0;
	s5 =	stileid.u32  }
0x5: {  	[smem:$0x7FF] =	sst s4;
	s1 =	sadd.s32 s5, s1  }
0x6: {  	s25 =	simm.s32 $0x2;
	_ =	strace $0x80000047;
	s1 =	sadd.s32 $0xE00, s1  }
0x7: {  	[tilespmem:s4], [sflag:$0x2] =	stream.linear.gather [hbm4b:s1+s4], $0x8, $0x38;
	[tilespmem:$0x2080] =	vst v63  }
0x8: {  	_ =	swait.ge [sflag:s25], $0x8  }
0x9: {  	[sflag:s25] =	ssyncset.done $0x0  }
0xa: {  	[sflag:s25] =	ssyncadd.s32 $0xFFFFFFF8  }
0xb: {  	v0 =	vld.msk [tilespmem:$0x0], $0xff;
	_ =	sdelay $0x4  }
0xc: {  	v1 =	vshll.u32 v0, $0x3  }
0xd: {  	v2 =	vlaneseq.u32;
	v0 =	vand.u32 $0x7, v0;
	v1 =	vand.u32 $0xFFFFFFC0, v1  }
0xe: {  	v62 =	vand.u32 $0x7, v2;
	v2 =	vshrl.u32 v2, $0x3;
	v0 =	vor.u32 v0, v1  }
0xf: {  	v63 =	vmul.u32 $0x8, v2;
	v0 =	vperm.xlane v0, v62;
	_ =	sdelay $0x1  }
0x10: {  	v0 =	vadd.s32 v63, v0;
	_ =	sdelay $0x3  }
0x11: {  	vm0 =	vmmov $0xffff;
	s6 =	simm.s32 $0x80  }
0x12: {  	[tilespmem:s6], [sflag:$0x1] =	stream.indirect_vreg.gather [hbm4b:s0+s4], $0x80, v0, vm0, $0xb8;
	[tilespmem:$0x2080] =	vst v63  }
0x13: {  	s8 =	simm.s32 $0x880;
	s7 =	sadd.s32 $0x100, s0  }
0x14: {  	[tilespmem:s8], [sflag:$0x1] =	stream.indirect_vreg.gather [hbm4b:s7+s4], $0x80, v0, vm0, $0xb8;
	[tilespmem:$0x2080] =	vst v63  }
0x15: {  	s28 =	simm.s32 $0x1080;
	s26 =	sadd.s32 $0x200, s0  }
0x16: {  	[tilespmem:s28], [sflag:$0x1] =	stream.indirect_vreg.gather [hbm4b:s26+s4], $0x80, v0, vm0, $0xb8;
	[tilespmem:$0x2080] =	vst v63  }
0x17: {  	s29 =	simm.s32 $0x1880;
	s30 =	simm.s32 $0x1;
	s0 =	sadd.s32 $0x300, s0  }
0x18: {  	[tilespmem:s29], [sflag:$0x1] =	stream.indirect_vreg.gather [hbm4b:s0+s4], $0x80, v0, vm0, $0xb8;
	[tilespmem:$0x2080] =	vst v63  }
0x19: {  	_ =	swait.ge [sflag:s30], $0x2000  }
0x1a: {  	s31 =	sshll.u32 s5, $0xA;
	[sflag:s30] =	ssyncset.done $0x0  }
0x1b: {  	s2 =	sadd.s32 s2, s31;
	[sflag:s30] =	ssyncadd.s32 $0xFFFFE000  }
0x1c: {  	[hbm4b:s2+s4] =	stream.linear.scatter [tilespmem:s6], [sflag:$0x2], $0x2000, $0x38;
	[tilespmem:$0x2080] =	vst v63  }
0x1d: {  	_ =	swait.ge [sflag:s25], $0x2000  }
0x1e: {  	[sflag:s25] =	ssyncset.done $0x0  }
0x1f: {  	[sflag:s25] =	ssyncadd.s32 $0xFFFFE000  }
0x20: {  	_ =	sfence.sel $0x180000  }
0x21: {  	[bflag:$0x0] =	sbarrier.arrive $0xFFFF  }
0x22: {  	p0 =	sne.s32 s5, $0x0;
	_ =	strace $0x90000047  }
0x23: {  	s0 =	sadd.s32 @!p0 $0x100000, s3;
	[bflag:$0x2] =	sbarrier.arrive $0xFFFF  }
0x24: {  	[sflag:s0] =	ssyncadd.tile.s32 @!p0 $0x1;
	_ =	shalt  }
.Lfunc_end2:
_tile_overlayer_lowered:
.L_overlay_start_2:
0x25: {  	(tag) =	ssettag $0x2  }
0x26: {  	s0 =	rddreg [dreg:$0x0];
	s2 =	stileid.u32  }
0x27: {  	s1 =	rddreg [dreg:$0x1];
	p0 =	sne.s32 s2, $0x0  }
0x28: {  	s3 =	rddreg [dreg:$0x2];
	[bflag:$0x3] =	sbarrier.arrive $0xFFFF;
	s2 =	simm.s32 @!p0 $0x1C02  }
0x29: {  	[timem:s3], [sflag:s2] =	dma.local @!p0 [hbm:s0], s1  }
0x2a: {  	s0 =	simm.s32 @!p0 $0x2  }
0x2b: {  	_ =	swait.ge @!p0 [sflag:s0], s1  }
0x2c: {  	s1 =	ssub.s32 @!p0 $0x0, s1;
	[sflag:s0] =	ssyncset.done @!p0 $0x0  }
0x2d: {  	[sflag:s0] =	ssyncadd.s32 @!p0 s1  }
0x2e: {  	[bflag:$0x3] =	sbarrier.arrive $0xFFFF  }
0x2f: {  	_ =	shalt  }

</sc_bundles>
